<compile_context>
chip_gen: v7x
topology: tpu7x:2x2x1
jax: 0.10.2.dev20260603
libtpu: 0.0.44.dev20260713+nightly
codegen_flags: <defaults>
</compile_context>

<pallas_src>
import functools

import jax
import jax.numpy as jnp
from jax import lax
from jax.experimental import pallas as pl
from jax.experimental.pallas import tpu as pltpu
from jax.experimental.pallas import tpu_sc as plsc

VOCAB = 100000
EMBED = 16
BATCH = 1024
TILE = 2048
NTILES = (VOCAB + TILE - 1) // TILE
PADV = NTILES * TILE
LASTW = VOCAB - (NTILES - 1) * TILE
K = 8
CB = BATCH // K
NQ = 8
LANES = 128
CG = TILE // LANES


def _gather_sc(table, idx):
    info = plsc.get_sparse_core_info()
    nc, ns = info.num_cores, info.num_subcores
    nw = nc * ns
    bpw = BATCH // nw
    mesh = plsc.VectorSubcoreMesh(core_axis_name="c", subcore_axis_name="s")

    @functools.partial(
        pl.kernel,
        mesh=mesh,
        compiler_params=pltpu.CompilerParams(use_tc_tiling_on_sc=False),
        out_type=jax.ShapeDtypeStruct((BATCH, EMBED), jnp.float32),
        scratch_types=[
            pltpu.VMEM((bpw,), jnp.int32),
            pltpu.VMEM((bpw, EMBED), jnp.float32),
            pltpu.SemaphoreType.DMA,
        ],
    )
    def gk(table_hbm, idx_hbm, out_hbm, idx_v, rows_v, sem):
        wid = lax.axis_index("s") * nc + lax.axis_index("c")
        base = wid * bpw
        pltpu.sync_copy(idx_hbm.at[pl.ds(base, bpw)], idx_v)
        pltpu.async_copy(table_hbm.at[idx_v], rows_v, sem).wait()
        pltpu.sync_copy(rows_v, out_hbm.at[pl.ds(base, bpw)])

    return gk(table, idx)


def _fused(h, wtp, b2p):
    T = (K + 1) * NTILES

    def full_copy(o_hbm, obuf, sems, q, c, j):
        return pltpu.make_async_copy(
            obuf.at[q],
            o_hbm.at[pl.ds(c * CB, CB), pl.ds(j * TILE, TILE)],
            sems.at[q],
        )

    def tail_copy(o_hbm, tbuf, sems, q, c):
        return pltpu.make_async_copy(
            tbuf.at[0],
            o_hbm.at[pl.ds(c * CB, CB), pl.ds((NTILES - 1) * TILE, LASTW)],
            sems.at[q],
        )

    def k(h_ref, w_ref, b_ref, o_hbm, obuf, tbuf, sems, m_ref, s_ref, lse_ref):
        t = pl.program_id(0)
        p = t // NTILES
        j = lax.rem(t, NTILES)
        woff = pl.multiple_of(j * TILE, TILE)
        w = w_ref[:, pl.ds(woff, TILE)]
        bcol = b_ref[:, pl.ds(woff, TILE)]

        @pl.when(p < K)
        def _pass1():
            r1 = p * CB

            @pl.when(j == 0)
            def _():
                m_ref[...] = jnp.full((CB, LANES), -1e30, jnp.float32)
                s_ref[...] = jnp.zeros((CB, LANES), jnp.float32)

            hc = h_ref[pl.ds(r1, CB), :].astype(jnp.bfloat16)
            logits = jnp.dot(hc, w, preferred_element_type=jnp.float32) + bcol
            l3 = logits.reshape(CB, CG, LANES)
            m_old = m_ref[...]
            m_new = jnp.maximum(m_old, jnp.max(l3, axis=1))
            s_ref[...] = s_ref[...] * jnp.exp(m_old - m_new) + jnp.sum(
                jnp.exp(l3 - m_new[:, None, :]), axis=1
            )
            m_ref[...] = m_new

            @pl.when(j == NTILES - 1)
            def _():
                m_g = jnp.max(m_ref[...], axis=1, keepdims=True)
                s_g = jnp.sum(
                    s_ref[...] * jnp.exp(m_ref[...] - m_g),
                    axis=1,
                    keepdims=True,
                )
                lse = m_g + jnp.log(s_g)
                lse_ref[pl.ds(r1, CB), :] = jnp.broadcast_to(lse, (CB, LANES))

        @pl.when(p >= 1)
        def _pass2():
            i = t - NTILES
            q = lax.rem(i, NQ)
            r0 = (p - 1) * CB

            @pl.when(i >= NQ)
            def _wait_prev():
                cp = jnp.where(j >= NQ, p - 1, p - 2)
                jp = jnp.where(j >= NQ, j - NQ, j + NTILES - NQ)

                @pl.when(j != NQ - 1)
                def _():
                    full_copy(o_hbm, obuf, sems, q, cp, jp).wait()

                @pl.when(j == NQ - 1)
                def _():
                    tail_copy(o_hbm, tbuf, sems, q, cp).wait()

            hc = h_ref[pl.ds(r0, CB), :].astype(jnp.bfloat16)
            logits = jnp.dot(hc, w, preferred_element_type=jnp.float32)
            l3 = logits.reshape(CB, CG, LANES)
            b3 = bcol.reshape(1, CG, LANES)
            lseB = lse_ref[pl.ds(r0, CB), :]
            vals = (l3 + (b3 - lseB[:, None, :])).reshape(CB, TILE)

            @pl.when(j != NTILES - 1)
            def _():
                obuf[pl.ds(q, 1)] = vals[None]
                full_copy(o_hbm, obuf, sems, q, p - 1, j).start()

            @pl.when(j == NTILES - 1)
            def _():
                tbuf[pl.ds(q, 1)] = vals[:, :LASTW][None]
                tail_copy(o_hbm, tbuf, sems, q, p - 1).start()

            @pl.when(t == T - 1)
            def _drain():
                for d in range(NQ):
                    jd = NTILES - NQ + d
                    qd = lax.rem(K * NTILES - NQ + d, NQ)
                    if jd == NTILES - 1:
                        tail_copy(o_hbm, tbuf, sems, qd, K - 1).wait()
                    else:
                        full_copy(o_hbm, obuf, sems, qd, K - 1, jd).wait()

    return pl.pallas_call(
        k,
        grid=(T,),
        in_specs=[
            pl.BlockSpec((BATCH, EMBED), lambda t: (0, 0)),
            pl.BlockSpec((EMBED, PADV), lambda t: (0, 0)),
            pl.BlockSpec((1, PADV), lambda t: (0, 0)),
        ],
        out_specs=pl.BlockSpec(memory_space=pl.ANY),
        out_shape=jax.ShapeDtypeStruct((BATCH, VOCAB), jnp.float32),
        scratch_shapes=[
            pltpu.VMEM((NQ, CB, TILE), jnp.float32),
            pltpu.VMEM((1, CB, LASTW), jnp.float32),
            pltpu.SemaphoreType.DMA((NQ,)),
            pltpu.VMEM((CB, LANES), jnp.float32),
            pltpu.VMEM((CB, LANES), jnp.float32),
            pltpu.VMEM((BATCH, LANES), jnp.float32),
        ],
    )(h, wtp, b2p)


def kernel(x, table, W, b):
    h = _gather_sc(table, x.astype(jnp.int32))
    wtp = jnp.concatenate(
        [W.T, jnp.zeros((EMBED, PADV - VOCAB), jnp.float32)], axis=1
    ).astype(jnp.bfloat16)
    b2p = jnp.concatenate(
        [b.reshape(1, VOCAB), jnp.full((1, PADV - VOCAB), -1e30, jnp.float32)],
        axis=1,
    )
    return _fused(h, wtp, b2p)

# --- scband reference (transcript-rebuilt; emitter-appended) ---
"""Pipeline reference for scband-embed-word-87308095193111 (READ-ONLY COPY).

The authoritative reference and input builder live on the scoring server;
editing this copy changes nothing except your own understanding.
"""

import jax, jax.numpy as jnp
import numpy as np

VOCAB = 100000
EMBED = 16
BATCH = 1024

def setup_inputs(seed: int = 0) -> dict:
    key = jax.random.key(seed)
    k1, k2, k3, k4 = jax.random.split(key, 4)
    x = jax.random.randint(k1, (BATCH,), 0, VOCAB, dtype=jnp.int64 if jax.config.jax_enable_x64 else jnp.int32)
    table = jax.random.normal(k2, (VOCAB, EMBED), dtype=jnp.float32)
    # torch Linear: weight [out_features, in_features], bias [out_features]
    W = jax.random.normal(k3, (VOCAB, EMBED), dtype=jnp.float32) * (1.0 / np.sqrt(EMBED))
    b = jax.random.normal(k4, (VOCAB,), dtype=jnp.float32) * 0.01
    return {"x": x, "table": table, "W": W, "b": b}

def reference(x, table, W, b):
    # embedding lookup (gather)
    h = jnp.take(table, x, axis=0)            # [B, EMBED]
    # linear: h @ W.T + b
    logits = h @ W.T + b                       # [B, VOCAB]
    # log-softmax over last dim (torch LogSoftmax on 2D input -> dim=1)
    out = jax.nn.log_softmax(logits, axis=-1)
    return out

if __name__ == "__main__":
    import jax
    _d = setup_inputs()
    print(jax.jit(kernel)(*tuple(_d.values())))

</pallas_src>

<mosaic_0001>
#map = affine_map<(d0, d1) -> (0, 0)>
#map1 = affine_map<(d0, d1) -> (0)>
module attributes {stable_mosaic.version = 14 : i64} {
  func.func @gk(%arg0: i32, %arg1: i32, %arg2: memref<100000x16xf32, #tpu.memory_space<hbm>>, %arg3: memref<1024xi32, #tpu.memory_space<hbm>>, %arg4: memref<1024x16xf32, #tpu.memory_space<hbm>>, %arg5: memref<32xi32, #tpu.memory_space<vmem>>, %arg6: memref<32x16xf32, #tpu.memory_space<vmem>>, %arg7: memref<!tpu.dma_semaphore, #tpu.memory_space<semaphore_mem>>) attributes {dimension_semantics = [#tpu.dimension_semantics<core_parallel>, #tpu.dimension_semantics<subcore_parallel>], iteration_bounds = array<i64: 2, 16>, scalar_prefetch = 0 : i64, scratch_operands = 3 : i64, tpu.core_type = #tpu.core_type<sc_vector_subcore>, window_params = [{transform_indices = #map}, {transform_indices = #map1}, {transform_indices = #map}]} {
    %mul3A = arith.constant 2 : i32
    %mul3A_0 = arith.muli %arg1, %mul3A : i32
    %add3A = arith.addi %mul3A_0, %arg0 : i32
    %mul3A_1 = arith.constant 32 : i32
    %mul3A_2 = arith.muli %add3A, %mul3A_1 : i32
    "tpu.region"() ({
      %run_scoped3A = tpu.sem_alloc : memref<!tpu.dma_semaphore, #tpu.memory_space<semaphore_mem>>
      %dma_start3A_7 = tpu.memref_slice %arg3[%mul3A_2] : memref<1024xi32, #tpu.memory_space<hbm>> -> memref<32xi32, #tpu.memory_space<hbm>>
      %dma_start3A_8 = tpu.memref_slice %arg3[%mul3A_2] : memref<1024xi32, #tpu.memory_space<hbm>> -> memref<32xi32, #tpu.memory_space<hbm>>
      tpu.enqueue_dma source(%dma_start3A_8 : memref<32xi32, #tpu.memory_space<hbm>>) target(%arg5 : memref<32xi32, #tpu.memory_space<vmem>>) target_semaphore(%run_scoped3A : memref<!tpu.dma_semaphore, #tpu.memory_space<semaphore_mem>>)
      %dma_wait3A_9 = tpu.memref_slice %arg3[%mul3A_2] : memref<1024xi32, #tpu.memory_space<hbm>> -> memref<32xi32, #tpu.memory_space<hbm>>
      %dma_wait3A_10 = tpu.memref_slice %arg3[%mul3A_2] : memref<1024xi32, #tpu.memory_space<hbm>> -> memref<32xi32, #tpu.memory_space<hbm>>
      tpu.wait_dma2 semaphore(%run_scoped3A : memref<!tpu.dma_semaphore, #tpu.memory_space<semaphore_mem>>) src(%dma_wait3A_10 : memref<32xi32, #tpu.memory_space<hbm>>) dst(%arg5 : memref<32xi32, #tpu.memory_space<vmem>>)
      tpu.yield
    }) : () -> ()
    %dma_start3A = arith.constant 0 : i32
    %dma_start3A_3 = arith.constant 0 : i32
    %dma_start3A_4 = tpu.memref_slice %arg2[%dma_start3A, %dma_start3A_3] : memref<100000x16xf32, #tpu.memory_space<hbm>> -> memref<100000x16xf32, #tpu.memory_space<hbm>>
    tpu.enqueue_indirect_dma source(%dma_start3A_4 : memref<100000x16xf32, #tpu.memory_space<hbm>>) target(%arg6 : memref<32x16xf32, #tpu.memory_space<vmem>>) offsets(%arg5 : memref<32xi32, #tpu.memory_space<vmem>>) semaphore(%arg7 : memref<!tpu.dma_semaphore, #tpu.memory_space<semaphore_mem>>)
    %dma_wait3A = arith.constant 0 : i32
    %dma_wait3A_5 = arith.constant 0 : i32
    %dma_wait3A_6 = tpu.memref_slice %arg2[%dma_wait3A, %dma_wait3A_5] : memref<100000x16xf32, #tpu.memory_space<hbm>> -> memref<100000x16xf32, #tpu.memory_space<hbm>>
    tpu.wait_indirect_dma semaphore(%arg7 : memref<!tpu.dma_semaphore, #tpu.memory_space<semaphore_mem>>) src(%dma_wait3A_6 : memref<100000x16xf32, #tpu.memory_space<hbm>>) dst(%arg6 : memref<32x16xf32, #tpu.memory_space<vmem>>)
    "tpu.region"() ({
      %run_scoped3A = tpu.sem_alloc : memref<!tpu.dma_semaphore, #tpu.memory_space<semaphore_mem>>
      %dma_start3A_7 = arith.constant 0 : i32
      %dma_start3A_8 = tpu.memref_slice %arg4[%mul3A_2, %dma_start3A_7] : memref<1024x16xf32, #tpu.memory_space<hbm>> -> memref<32x16xf32, #tpu.memory_space<hbm>>
      %dma_start3A_9 = arith.constant 0 : i32
      %dma_start3A_10 = tpu.memref_slice %arg4[%mul3A_2, %dma_start3A_9] : memref<1024x16xf32, #tpu.memory_space<hbm>> -> memref<32x16xf32, #tpu.memory_space<hbm>>
      tpu.enqueue_dma source(%arg6 : memref<32x16xf32, #tpu.memory_space<vmem>>) target(%dma_start3A_10 : memref<32x16xf32, #tpu.memory_space<hbm>>) target_semaphore(%run_scoped3A : memref<!tpu.dma_semaphore, #tpu.memory_space<semaphore_mem>>)
      %dma_wait3A_11 = arith.constant 0 : i32
      %dma_wait3A_12 = tpu.memref_slice %arg4[%mul3A_2, %dma_wait3A_11] : memref<1024x16xf32, #tpu.memory_space<hbm>> -> memref<32x16xf32, #tpu.memory_space<hbm>>
      %dma_wait3A_13 = arith.constant 0 : i32
      %dma_wait3A_14 = tpu.memref_slice %arg4[%mul3A_2, %dma_wait3A_13] : memref<1024x16xf32, #tpu.memory_space<hbm>> -> memref<32x16xf32, #tpu.memory_space<hbm>>
      tpu.wait_dma2 semaphore(%run_scoped3A : memref<!tpu.dma_semaphore, #tpu.memory_space<semaphore_mem>>) src(%arg6 : memref<32x16xf32, #tpu.memory_space<vmem>>) dst(%dma_wait3A_14 : memref<32x16xf32, #tpu.memory_space<hbm>>)
      tpu.yield
    }) : () -> ()
    return
  }
}

module attributes {stable_mosaic.version = 14 : i64} {
  func.func @k(%arg0: i32, %arg1: memref<1024x16xf32, #tpu.memory_space<vmem>>, %arg2: memref<16x100352xbf16, #tpu.memory_space<vmem>>, %arg3: memref<1x100352xf32, #tpu.memory_space<vmem>>, %arg4: memref<1024x100000xf32, #tpu.memory_space<any>>, %arg5: memref<8x128x2048xf32, #tpu.memory_space<vmem>>, %arg6: memref<1x128x1696xf32, #tpu.memory_space<vmem>>, %arg7: memref<8x!tpu.dma_semaphore, #tpu.memory_space<semaphore_mem>>, %arg8: memref<128x128xf32, #tpu.memory_space<vmem>>, %arg9: memref<128x128xf32, #tpu.memory_space<vmem>>, %arg10: memref<1024x128xf32, #tpu.memory_space<vmem>>) attributes {dimension_semantics = [#tpu.dimension_semantics<arbitrary>], iteration_bounds = array<i64: 441>, scalar_prefetch = 0 : i64, scratch_operands = 6 : i64, tpu.core_type = #tpu.core_type<tc>, window_params = [{pipeline_mode = #tpu.pipeline_mode<synchronous>, transform_indices = @transform_0, window_bounds = array<i64: 1024, 16>}, {pipeline_mode = #tpu.pipeline_mode<synchronous>, transform_indices = @transform_1, window_bounds = array<i64: 16, 100352>}, {pipeline_mode = #tpu.pipeline_mode<synchronous>, transform_indices = @transform_2, window_bounds = array<i64: 1, 100352>}, {}]} {
    %jit3A = arith.constant 49 : i32
    %div3A = arith.divsi %arg0, %jit3A : i32
    %sign3A = arith.constant 0 : i32
    %sign3A_0 = arith.cmpi sgt, %arg0, %sign3A : i32
    %sign3A_1 = arith.extui %sign3A_0 : i1 to i32
    %sign3A_2 = arith.constant 0 : i32
    %sign3A_3 = arith.cmpi slt, %arg0, %sign3A_2 : i32
    %sign3A_4 = arith.extui %sign3A_3 : i1 to i32
    %sign3A_5 = arith.subi %sign3A_1, %sign3A_4 : i32
    %sign3A_6 = arith.constant 0 : i32
    %sign3A_7 = arith.cmpi sgt, %jit3A, %sign3A_6 : i32
    %sign3A_8 = arith.extui %sign3A_7 : i1 to i32
    %sign3A_9 = arith.constant 0 : i32
    %sign3A_10 = arith.cmpi slt, %jit3A, %sign3A_9 : i32
    %sign3A_11 = arith.extui %sign3A_10 : i1 to i32
    %sign3A_12 = arith.subi %sign3A_8, %sign3A_11 : i32
    %ne3A = arith.cmpi ne, %sign3A_5, %sign3A_12 : i32
    %rem3A = arith.remsi %arg0, %jit3A : i32
    %ne3A_13 = arith.constant 0 : i32
    %ne3A_14 = arith.cmpi ne, %rem3A, %ne3A_13 : i32
    %and3A = arith.andi %ne3A, %ne3A_14 : i1
    %sub3A = arith.constant 1 : i32
    %sub3A_15 = arith.subi %div3A, %sub3A : i32
    %select_n3A = arith.select %and3A, %sub3A_15, %div3A : i32
    %rem3A_16 = arith.constant 49 : i32
    %rem3A_17 = arith.remsi %arg0, %rem3A_16 : i32
    %mul3A = arith.constant 2048 : i32
    %mul3A_18 = arith.muli %rem3A_17, %mul3A : i32
    %multiple_of3A = tpu.assume_multiple %mul3A_18, 2048 : i32
    %get3A = arith.constant 0 : index
    %get3A_19 = arith.index_cast %multiple_of3A : i32 to index
    %get3A_20 = vector.load %arg2[%get3A, %get3A_19] : memref<16x100352xbf16, #tpu.memory_space<vmem>>, vector<16x2048xbf16>
    %get3A_21 = arith.constant 0 : index
    %get3A_22 = arith.index_cast %multiple_of3A : i32 to index
    %get3A_23 = vector.load %arg3[%get3A_21, %get3A_22] : memref<1x100352xf32, #tpu.memory_space<vmem>>, vector<1x2048xf32>
    %lt3A = arith.constant 8 : i32
    %lt3A_24 = arith.cmpi slt, %select_n3A, %lt3A : i32
    %convert_element_type3A = arith.extui %lt3A_24 : i1 to i32
    %cond3A = arith.constant 0 : i32
    %cond3A_25 = arith.cmpi ne, %convert_element_type3A, %cond3A : i32
    scf.if %cond3A_25 {
      %mul3A_30 = arith.constant 128 : i32
      %mul3A_31 = arith.muli %select_n3A, %mul3A_30 : i32
      %eq3A = arith.constant 0 : i32
      %eq3A_32 = arith.cmpi eq, %rem3A_17, %eq3A : i32
      %convert_element_type3A_33 = arith.extui %eq3A_32 : i1 to i32
      %cond3A_34 = arith.constant 0 : i32
      %cond3A_35 = arith.cmpi ne, %convert_element_type3A_33, %cond3A_34 : i32
      scf.if %cond3A_35 {
        %broadcast_in_dim3A_66 = arith.constant -1.000000e+30 : f32
        %broadcast_in_dim3A_67 = vector.broadcast %broadcast_in_dim3A_66 : f32 to vector<128x128xf32>
        %swap3A_68 = arith.constant 0 : index
        %swap3A_69 = arith.constant 0 : index
        %swap3A_70 = vector.load %arg8[%swap3A_68, %swap3A_69] : memref<128x128xf32, #tpu.memory_space<vmem>>, vector<128x128xf32>
        tpu.vector_store %arg8[%swap3A_68, %swap3A_69], %broadcast_in_dim3A_67 {strides = array<i32>} : memref<128x128xf32, #tpu.memory_space<vmem>>, vector<128x128xf32>,
        %broadcast_in_dim3A_71 = arith.constant 0.000000e+00 : f32
        %broadcast_in_dim3A_72 = vector.broadcast %broadcast_in_dim3A_71 : f32 to vector<128x128xf32>
        %swap3A_73 = arith.constant 0 : index
        %swap3A_74 = arith.constant 0 : index
        %swap3A_75 = vector.load %arg9[%swap3A_73, %swap3A_74] : memref<128x128xf32, #tpu.memory_space<vmem>>, vector<128x128xf32>
        tpu.vector_store %arg9[%swap3A_73, %swap3A_74], %broadcast_in_dim3A_72 {strides = array<i32>} : memref<128x128xf32, #tpu.memory_space<vmem>>, vector<128x128xf32>,
      } else {
      }
      %get3A_36 = arith.index_cast %mul3A_31 : i32 to index
      %get3A_37 = arith.constant 0 : index
      %get3A_38 = vector.load %arg1[%get3A_36, %get3A_37] : memref<1024x16xf32, #tpu.memory_space<vmem>>, vector<128x16xf32>
      %convert_element_type3A_39 = arith.truncf %get3A_38 : vector<128x16xf32> to vector<128x16xbf16>
      %dot_general3A = arith.constant dense<0.000000e+00> : vector<128x2048xf32>
      %dot_general3A_40 = tpu.matmul %convert_element_type3A_39, %get3A_20, %dot_general3A {dimension_numbers = #tpu.dot_dimension_numbers<[1], [0], [0], [1], [0, 0, 1, 1], [], []>, transpose_lhs_hint = false} : vector<128x16xbf16>, vector<16x2048xbf16>, vector<128x2048xf32> -> vector<128x2048xf32>
      %add3A = vector.broadcast %get3A_23 : vector<1x2048xf32> to vector<128x2048xf32>
      %add3A_41 = arith.addf %dot_general3A_40, %add3A : vector<128x2048xf32>
      %reshape3A = vector.shape_cast %add3A_41 : vector<128x2048xf32> to vector<128x16x128xf32>
      %get3A_42 = arith.constant 0 : index
      %get3A_43 = arith.constant 0 : index
      %get3A_44 = vector.load %arg8[%get3A_42, %get3A_43] : memref<128x128xf32, #tpu.memory_space<vmem>>, vector<128x128xf32>
      %reduce_max3A = arith.constant dense<0xFF800000> : vector<128x128xf32>
      %reduce_max3A_45 = vector.multi_reduction <maximumf>, %reshape3A, %reduce_max3A [1] : vector<128x16x128xf32> to vector<128x128xf32>
      %max3A = arith.maximumf %get3A_44, %reduce_max3A_45 : vector<128x128xf32>
      %get3A_46 = arith.constant 0 : index
      %get3A_47 = arith.constant 0 : index
      %get3A_48 = vector.load %arg9[%get3A_46, %get3A_47] : memref<128x128xf32, #tpu.memory_space<vmem>>, vector<128x128xf32>
      %sub3A_49 = arith.subf %get3A_44, %max3A : vector<128x128xf32>
      %exp3A = math.exp %sub3A_49 : vector<128x128xf32>
      %mul3A_50 = arith.mulf %get3A_48, %exp3A : vector<128x128xf32>
      %broadcast_in_dim3A = vector.shape_cast %max3A : vector<128x128xf32> to vector<128x1x128xf32>
      %sub3A_51 = vector.broadcast %broadcast_in_dim3A : vector<128x1x128xf32> to vector<128x16x128xf32>
      %sub3A_52 = arith.subf %reshape3A, %sub3A_51 : vector<128x16x128xf32>
      %exp3A_53 = math.exp %sub3A_52 : vector<128x16x128xf32>
      %reduce_sum3A = arith.constant dense<0.000000e+00> : vector<128x128xf32>
      %reduce_sum3A_54 = vector.multi_reduction <add>, %exp3A_53, %reduce_sum3A [1] : vector<128x16x128xf32> to vector<128x128xf32>
      %add3A_55 = arith.addf %mul3A_50, %reduce_sum3A_54 : vector<128x128xf32>
      %swap3A = arith.constant 0 : index
      %swap3A_56 = arith.constant 0 : index
      %swap3A_57 = vector.load %arg9[%swap3A, %swap3A_56] : memref<128x128xf32, #tpu.memory_space<vmem>>, vector<128x128xf32>
      tpu.vector_store %arg9[%swap3A, %swap3A_56], %add3A_55 {strides = array<i32>} : memref<128x128xf32, #tpu.memory_space<vmem>>, vector<128x128xf32>,
      %swap3A_58 = arith.constant 0 : index
      %swap3A_59 = arith.constant 0 : index
      %swap3A_60 = vector.load %arg8[%swap3A_58, %swap3A_59] : memref<128x128xf32, #tpu.memory_space<vmem>>, vector<128x128xf32>
      tpu.vector_store %arg8[%swap3A_58, %swap3A_59], %max3A {strides = array<i32>} : memref<128x128xf32, #tpu.memory_space<vmem>>, vector<128x128xf32>,
      %eq3A_61 = arith.constant 48 : i32
      %eq3A_62 = arith.cmpi eq, %rem3A_17, %eq3A_61 : i32
      %convert_element_type3A_63 = arith.extui %eq3A_62 : i1 to i32
      %cond3A_64 = arith.constant 0 : i32
      %cond3A_65 = arith.cmpi ne, %convert_element_type3A_63, %cond3A_64 : i32
      scf.if %cond3A_65 {
        %get3A_66 = arith.constant 0 : index
        %get3A_67 = arith.constant 0 : index
        %get3A_68 = vector.load %arg8[%get3A_66, %get3A_67] : memref<128x128xf32, #tpu.memory_space<vmem>>, vector<128x128xf32>
        %reduce_max3A_69 = arith.constant dense<0xFF800000> : vector<128xf32>
        %reduce_max3A_70 = vector.multi_reduction <maximumf>, %get3A_68, %reduce_max3A_69 [1] : vector<128x128xf32> to vector<128xf32>
        %broadcast_in_dim3A_71 = vector.shape_cast %reduce_max3A_70 : vector<128xf32> to vector<128x1xf32>
        %get3A_72 = arith.constant 0 : index
        %get3A_73 = arith.constant 0 : index
        %get3A_74 = vector.load %arg9[%get3A_72, %get3A_73] : memref<128x128xf32, #tpu.memory_space<vmem>>, vector<128x128xf32>
        %get3A_75 = arith.constant 0 : index
        %get3A_76 = arith.constant 0 : index
        %get3A_77 = vector.load %arg8[%get3A_75, %get3A_76] : memref<128x128xf32, #tpu.memory_space<vmem>>, vector<128x128xf32>
        %sub3A_78 = vector.broadcast %broadcast_in_dim3A_71 : vector<128x1xf32> to vector<128x128xf32>
        %sub3A_79 = arith.subf %get3A_77, %sub3A_78 : vector<128x128xf32>
        %exp3A_80 = math.exp %sub3A_79 : vector<128x128xf32>
        %mul3A_81 = arith.mulf %get3A_74, %exp3A_80 : vector<128x128xf32>
        %reduce_sum3A_82 = arith.constant dense<0.000000e+00> : vector<128xf32>
        %reduce_sum3A_83 = vector.multi_reduction <add>, %mul3A_81, %reduce_sum3A_82 [1] : vector<128x128xf32> to vector<128xf32>
        %broadcast_in_dim3A_84 = vector.shape_cast %reduce_sum3A_83 : vector<128xf32> to vector<128x1xf32>
        %log3A = math.log %broadcast_in_dim3A_84 : vector<128x1xf32>
        %add3A_85 = arith.addf %broadcast_in_dim3A_71, %log3A : vector<128x1xf32>
        %broadcast_in_dim3A_86 = vector.shape_cast %add3A_85 : vector<128x1xf32> to vector<128x1xf32>
        %broadcast_in_dim3A_87 = vector.broadcast %broadcast_in_dim3A_86 : vector<128x1xf32> to vector<128x128xf32>
        %swap3A_88 = arith.index_cast %mul3A_31 : i32 to index
        %swap3A_89 = arith.constant 0 : index
        %swap3A_90 = vector.load %arg10[%swap3A_88, %swap3A_89] : memref<1024x128xf32, #tpu.memory_space<vmem>>, vector<128x128xf32>
        tpu.vector_store %arg10[%swap3A_88, %swap3A_89], %broadcast_in_dim3A_87 {strides = array<i32>} : memref<1024x128xf32, #tpu.memory_space<vmem>>, vector<128x128xf32>,
      } else {
      }
    } else {
    }
    %ge3A = arith.constant 1 : i32
    %ge3A_26 = arith.cmpi sge, %select_n3A, %ge3A : i32
    %convert_element_type3A_27 = arith.extui %ge3A_26 : i1 to i32
    %cond3A_28 = arith.constant 0 : i32
    %cond3A_29 = arith.cmpi ne, %convert_element_type3A_27, %cond3A_28 : i32
    scf.if %cond3A_29 {
      %sub3A_30 = arith.constant 49 : i32
      %sub3A_31 = arith.subi %arg0, %sub3A_30 : i32
      %rem3A_32 = arith.constant 8 : i32
      %rem3A_33 = arith.remsi %sub3A_31, %rem3A_32 : i32
      %sub3A_34 = arith.constant 1 : i32
      %sub3A_35 = arith.subi %select_n3A, %sub3A_34 : i32
      %mul3A_36 = arith.constant 128 : i32
      %mul3A_37 = arith.muli %sub3A_35, %mul3A_36 : i32
      %ge3A_38 = arith.constant 8 : i32
      %ge3A_39 = arith.cmpi sge, %sub3A_31, %ge3A_38 : i32
      %convert_element_type3A_40 = arith.extui %ge3A_39 : i1 to i32
      %cond3A_41 = arith.constant 0 : i32
      %cond3A_42 = arith.cmpi ne, %convert_element_type3A_40, %cond3A_41 : i32
      scf.if %cond3A_42 {
        %ge3A_70 = arith.constant 8 : i32
        %ge3A_71 = arith.cmpi sge, %rem3A_17, %ge3A_70 : i32
        %sub3A_72 = arith.constant 1 : i32
        %sub3A_73 = arith.subi %select_n3A, %sub3A_72 : i32
        %sub3A_74 = arith.constant 2 : i32
        %sub3A_75 = arith.subi %select_n3A, %sub3A_74 : i32
        %select_n3A_76 = arith.select %ge3A_71, %sub3A_73, %sub3A_75 : i32
        %ge3A_77 = arith.constant 8 : i32
        %ge3A_78 = arith.cmpi sge, %rem3A_17, %ge3A_77 : i32
        %sub3A_79 = arith.constant 8 : i32
        %sub3A_80 = arith.subi %rem3A_17, %sub3A_79 : i32
        %add3A_81 = arith.constant 49 : i32
        %add3A_82 = arith.addi %rem3A_17, %add3A_81 : i32
        %sub3A_83 = arith.constant 8 : i32
        %sub3A_84 = arith.subi %add3A_82, %sub3A_83 : i32
        %select_n3A_85 = arith.select %ge3A_78, %sub3A_80, %sub3A_84 : i32
        %ne3A_86 = arith.constant 7 : i32
        %ne3A_87 = arith.cmpi ne, %rem3A_17, %ne3A_86 : i32
        %convert_element_type3A_88 = arith.extui %ne3A_87 : i1 to i32
        %cond3A_89 = arith.constant 0 : i32
        %cond3A_90 = arith.cmpi ne, %convert_element_type3A_88, %cond3A_89 : i32
        scf.if %cond3A_90 {
          %mul3A_96 = arith.constant 128 : i32
          %mul3A_97 = arith.muli %select_n3A_76, %mul3A_96 : i32
          %mul3A_98 = arith.constant 2048 : i32
          %mul3A_99 = arith.muli %select_n3A_85, %mul3A_98 : i32
          %dma_wait3A = tpu.memref_slice %arg7[%rem3A_33] : memref<8x!tpu.dma_semaphore, #tpu.memory_space<semaphore_mem>> -> memref<1x!tpu.dma_semaphore, #tpu.memory_space<semaphore_mem>>
          %dma_wait3A_100 = tpu.memref_squeeze %dma_wait3A : memref<1x!tpu.dma_semaphore, #tpu.memory_space<semaphore_mem>> -> memref<!tpu.dma_semaphore, #tpu.memory_space<semaphore_mem>>
          %dma_wait3A_101 = tpu.memref_slice %arg4[%mul3A_97, %mul3A_99] : memref<1024x100000xf32, #tpu.memory_space<any>> -> memref<128x2048xf32, #tpu.memory_space<any>>
          %dma_wait3A_102 = arith.constant 0 : i32
          %dma_wait3A_103 = arith.constant 0 : i32
          %dma_wait3A_104 = tpu.memref_slice %arg5[%rem3A_33, %dma_wait3A_102, %dma_wait3A_103] : memref<8x128x2048xf32, #tpu.memory_space<vmem>> -> memref<1x128x2048xf32, #tpu.memory_space<vmem>>
          %dma_wait3A_105 = tpu.memref_squeeze %dma_wait3A_104 : memref<1x128x2048xf32, #tpu.memory_space<vmem>> -> memref<128x2048xf32, #tpu.memory_space<vmem>>
          tpu.wait_dma2 semaphore(%dma_wait3A_100 : memref<!tpu.dma_semaphore, #tpu.memory_space<semaphore_mem>>) src(%dma_wait3A_105 : memref<128x2048xf32, #tpu.memory_space<vmem>>) dst(%dma_wait3A_101 : memref<128x2048xf32, #tpu.memory_space<any>>)
        } else {
        }
        %eq3A_91 = arith.constant 7 : i32
        %eq3A_92 = arith.cmpi eq, %rem3A_17, %eq3A_91 : i32
        %convert_element_type3A_93 = arith.extui %eq3A_92 : i1 to i32
        %cond3A_94 = arith.constant 0 : i32
        %cond3A_95 = arith.cmpi ne, %convert_element_type3A_93, %cond3A_94 : i32
        scf.if %cond3A_95 {
          %mul3A_96 = arith.constant 128 : i32
          %mul3A_97 = arith.muli %select_n3A_76, %mul3A_96 : i32
          %dma_wait3A = arith.constant 0 : i32
          %dma_wait3A_98 = tpu.memref_slice %arg7[%rem3A_33] : memref<8x!tpu.dma_semaphore, #tpu.memory_space<semaphore_mem>> -> memref<1x!tpu.dma_semaphore, #tpu.memory_space<semaphore_mem>>
          %dma_wait3A_99 = tpu.memref_squeeze %dma_wait3A_98 : memref<1x!tpu.dma_semaphore, #tpu.memory_space<semaphore_mem>> -> memref<!tpu.dma_semaphore, #tpu.memory_space<semaphore_mem>>
          %dma_wait3A_100 = arith.constant 98304 : i32
          %dma_wait3A_101 = tpu.memref_slice %arg4[%mul3A_97, %dma_wait3A_100] : memref<1024x100000xf32, #tpu.memory_space<any>> -> memref<128x1696xf32, #tpu.memory_space<any>>
          %dma_wait3A_102 = arith.constant 0 : i32
          %dma_wait3A_103 = arith.constant 0 : i32
          %dma_wait3A_104 = tpu.memref_slice %arg6[%dma_wait3A, %dma_wait3A_102, %dma_wait3A_103] : memref<1x128x1696xf32, #tpu.memory_space<vmem>> -> memref<1x128x1696xf32, #tpu.memory_space<vmem>>
          %dma_wait3A_105 = tpu.memref_squeeze %dma_wait3A_104 : memref<1x128x1696xf32, #tpu.memory_space<vmem>> -> memref<128x1696xf32, #tpu.memory_space<vmem>>
          tpu.wait_dma2 semaphore(%dma_wait3A_99 : memref<!tpu.dma_semaphore, #tpu.memory_space<semaphore_mem>>) src(%dma_wait3A_105 : memref<128x1696xf32, #tpu.memory_space<vmem>>) dst(%dma_wait3A_101 : memref<128x1696xf32, #tpu.memory_space<any>>)
        } else {
        }
      } else {
      }
      %get3A_43 = arith.index_cast %mul3A_37 : i32 to index
      %get3A_44 = arith.constant 0 : index
      %get3A_45 = vector.load %arg1[%get3A_43, %get3A_44] : memref<1024x16xf32, #tpu.memory_space<vmem>>, vector<128x16xf32>
      %convert_element_type3A_46 = arith.truncf %get3A_45 : vector<128x16xf32> to vector<128x16xbf16>
      %dot_general3A = arith.constant dense<0.000000e+00> : vector<128x2048xf32>
      %dot_general3A_47 = tpu.matmul %convert_element_type3A_46, %get3A_20, %dot_general3A {dimension_numbers = #tpu.dot_dimension_numbers<[1], [0], [0], [1], [0, 0, 1, 1], [], []>, transpose_lhs_hint = false} : vector<128x16xbf16>, vector<16x2048xbf16>, vector<128x2048xf32> -> vector<128x2048xf32>
      %reshape3A = vector.shape_cast %dot_general3A_47 : vector<128x2048xf32> to vector<128x16x128xf32>
      %reshape3A_48 = vector.shape_cast %get3A_23 : vector<1x2048xf32> to vector<1x16x128xf32>
      %get3A_49 = arith.index_cast %mul3A_37 : i32 to index
      %get3A_50 = arith.constant 0 : index
      %get3A_51 = vector.load %arg10[%get3A_49, %get3A_50] : memref<1024x128xf32, #tpu.memory_space<vmem>>, vector<128x128xf32>
      %broadcast_in_dim3A = vector.shape_cast %get3A_51 : vector<128x128xf32> to vector<128x1x128xf32>
      %sub3A_52 = vector.broadcast %reshape3A_48 : vector<1x16x128xf32> to vector<128x16x128xf32>
      %sub3A_53 = vector.broadcast %broadcast_in_dim3A : vector<128x1x128xf32> to vector<128x16x128xf32>
      %sub3A_54 = arith.subf %sub3A_52, %sub3A_53 : vector<128x16x128xf32>
      %add3A = arith.addf %reshape3A, %sub3A_54 : vector<128x16x128xf32>
      %reshape3A_55 = vector.shape_cast %add3A : vector<128x16x128xf32> to vector<128x2048xf32>
      %ne3A_56 = arith.constant 48 : i32
      %ne3A_57 = arith.cmpi ne, %rem3A_17, %ne3A_56 : i32
      %convert_element_type3A_58 = arith.extui %ne3A_57 : i1 to i32
      %cond3A_59 = arith.constant 0 : i32
      %cond3A_60 = arith.cmpi ne, %convert_element_type3A_58, %cond3A_59 : i32
      scf.if %cond3A_60 {
        %broadcast_in_dim3A_70 = vector.shape_cast %reshape3A_55 : vector<128x2048xf32> to vector<1x128x2048xf32>
        %swap3A = arith.index_cast %rem3A_33 : i32 to index
        %swap3A_71 = arith.constant 0 : index
        %swap3A_72 = arith.constant 0 : index
        %swap3A_73 = vector.load %arg5[%swap3A, %swap3A_71, %swap3A_72] : memref<8x128x2048xf32, #tpu.memory_space<vmem>>, vector<1x128x2048xf32>
        tpu.vector_store %arg5[%swap3A, %swap3A_71, %swap3A_72], %broadcast_in_dim3A_70 {strides = array<i32>} : memref<8x128x2048xf32, #tpu.memory_space<vmem>>, vector<1x128x2048xf32>,
        %sub3A_74 = arith.constant 1 : i32
        %sub3A_75 = arith.subi %select_n3A, %sub3A_74 : i32
        %mul3A_76 = arith.constant 128 : i32
        %mul3A_77 = arith.muli %sub3A_75, %mul3A_76 : i32
        %mul3A_78 = arith.constant 2048 : i32
        %mul3A_79 = arith.muli %rem3A_17, %mul3A_78 : i32
        %dma_start3A = tpu.memref_slice %arg7[%rem3A_33] : memref<8x!tpu.dma_semaphore, #tpu.memory_space<semaphore_mem>> -> memref<1x!tpu.dma_semaphore, #tpu.memory_space<semaphore_mem>>
        %dma_start3A_80 = tpu.memref_squeeze %dma_start3A : memref<1x!tpu.dma_semaphore, #tpu.memory_space<semaphore_mem>> -> memref<!tpu.dma_semaphore, #tpu.memory_space<semaphore_mem>>
        %dma_start3A_81 = tpu.memref_slice %arg4[%mul3A_77, %mul3A_79] : memref<1024x100000xf32, #tpu.memory_space<any>> -> memref<128x2048xf32, #tpu.memory_space<any>>
        %dma_start3A_82 = arith.constant 0 : i32
        %dma_start3A_83 = arith.constant 0 : i32
        %dma_start3A_84 = tpu.memref_slice %arg5[%rem3A_33, %dma_start3A_82, %dma_start3A_83] : memref<8x128x2048xf32, #tpu.memory_space<vmem>> -> memref<1x128x2048xf32, #tpu.memory_space<vmem>>
        %dma_start3A_85 = tpu.memref_squeeze %dma_start3A_84 : memref<1x128x2048xf32, #tpu.memory_space<vmem>> -> memref<128x2048xf32, #tpu.memory_space<vmem>>
        tpu.enqueue_dma source(%dma_start3A_85 : memref<128x2048xf32, #tpu.memory_space<vmem>>) target(%dma_start3A_81 : memref<128x2048xf32, #tpu.memory_space<any>>) target_semaphore(%dma_start3A_80 : memref<!tpu.dma_semaphore, #tpu.memory_space<semaphore_mem>>)
      } else {
      }
      %eq3A = arith.constant 48 : i32
      %eq3A_61 = arith.cmpi eq, %rem3A_17, %eq3A : i32
      %convert_element_type3A_62 = arith.extui %eq3A_61 : i1 to i32
      %cond3A_63 = arith.constant 0 : i32
      %cond3A_64 = arith.cmpi ne, %convert_element_type3A_62, %cond3A_63 : i32
      scf.if %cond3A_64 {
        %slice3A = vector.extract_strided_slice %reshape3A_55 {offsets = [0, 0], sizes = [128, 1696], strides = [1, 1]} : vector<128x2048xf32> to vector<128x1696xf32>
        %broadcast_in_dim3A_70 = vector.shape_cast %slice3A : vector<128x1696xf32> to vector<1x128x1696xf32>
        %swap3A = arith.index_cast %rem3A_33 : i32 to index
        %swap3A_71 = arith.constant 0 : index
        %swap3A_72 = arith.constant 0 : index
        %swap3A_73 = vector.load %arg6[%swap3A, %swap3A_71, %swap3A_72] : memref<1x128x1696xf32, #tpu.memory_space<vmem>>, vector<1x128x1696xf32>
        tpu.vector_store %arg6[%swap3A, %swap3A_71, %swap3A_72], %broadcast_in_dim3A_70 {strides = array<i32>} : memref<1x128x1696xf32, #tpu.memory_space<vmem>>, vector<1x128x1696xf32>,
        %sub3A_74 = arith.constant 1 : i32
        %sub3A_75 = arith.subi %select_n3A, %sub3A_74 : i32
        %mul3A_76 = arith.constant 128 : i32
        %mul3A_77 = arith.muli %sub3A_75, %mul3A_76 : i32
        %dma_start3A = arith.constant 0 : i32
        %dma_start3A_78 = tpu.memref_slice %arg7[%rem3A_33] : memref<8x!tpu.dma_semaphore, #tpu.memory_space<semaphore_mem>> -> memref<1x!tpu.dma_semaphore, #tpu.memory_space<semaphore_mem>>
        %dma_start3A_79 = tpu.memref_squeeze %dma_start3A_78 : memref<1x!tpu.dma_semaphore, #tpu.memory_space<semaphore_mem>> -> memref<!tpu.dma_semaphore, #tpu.memory_space<semaphore_mem>>
        %dma_start3A_80 = arith.constant 98304 : i32
        %dma_start3A_81 = tpu.memref_slice %arg4[%mul3A_77, %dma_start3A_80] : memref<1024x100000xf32, #tpu.memory_space<any>> -> memref<128x1696xf32, #tpu.memory_space<any>>
        %dma_start3A_82 = arith.constant 0 : i32
        %dma_start3A_83 = arith.constant 0 : i32
        %dma_start3A_84 = tpu.memref_slice %arg6[%dma_start3A, %dma_start3A_82, %dma_start3A_83] : memref<1x128x1696xf32, #tpu.memory_space<vmem>> -> memref<1x128x1696xf32, #tpu.memory_space<vmem>>
        %dma_start3A_85 = tpu.memref_squeeze %dma_start3A_84 : memref<1x128x1696xf32, #tpu.memory_space<vmem>> -> memref<128x1696xf32, #tpu.memory_space<vmem>>
        tpu.enqueue_dma source(%dma_start3A_85 : memref<128x1696xf32, #tpu.memory_space<vmem>>) target(%dma_start3A_81 : memref<128x1696xf32, #tpu.memory_space<any>>) target_semaphore(%dma_start3A_79 : memref<!tpu.dma_semaphore, #tpu.memory_space<semaphore_mem>>)
      } else {
      }
      %eq3A_65 = arith.constant 440 : i32
      %eq3A_66 = arith.cmpi eq, %arg0, %eq3A_65 : i32
      %convert_element_type3A_67 = arith.extui %eq3A_66 : i1 to i32
      %cond3A_68 = arith.constant 0 : i32
      %cond3A_69 = arith.cmpi ne, %convert_element_type3A_67, %cond3A_68 : i32
      scf.if %cond3A_69 {
        %rem3A_70 = arith.constant 384 : i32
        %rem3A_71 = arith.constant 8 : i32
        %rem3A_72 = arith.remsi %rem3A_70, %rem3A_71 : i32
        %dma_wait3A = tpu.memref_slice %arg7[%rem3A_72] : memref<8x!tpu.dma_semaphore, #tpu.memory_space<semaphore_mem>> -> memref<1x!tpu.dma_semaphore, #tpu.memory_space<semaphore_mem>>
        %dma_wait3A_73 = tpu.memref_squeeze %dma_wait3A : memref<1x!tpu.dma_semaphore, #tpu.memory_space<semaphore_mem>> -> memref<!tpu.dma_semaphore, #tpu.memory_space<semaphore_mem>>
        %dma_wait3A_74 = arith.constant 896 : i32
        %dma_wait3A_75 = arith.constant 83968 : i32
        %dma_wait3A_76 = tpu.memref_slice %arg4[%dma_wait3A_74, %dma_wait3A_75] : memref<1024x100000xf32, #tpu.memory_space<any>> -> memref<128x2048xf32, #tpu.memory_space<any>>
        %dma_wait3A_77 = arith.constant 0 : i32
        %dma_wait3A_78 = arith.constant 0 : i32
        %dma_wait3A_79 = tpu.memref_slice %arg5[%rem3A_72, %dma_wait3A_77, %dma_wait3A_78] : memref<8x128x2048xf32, #tpu.memory_space<vmem>> -> memref<1x128x2048xf32, #tpu.memory_space<vmem>>
        %dma_wait3A_80 = tpu.memref_squeeze %dma_wait3A_79 : memref<1x128x2048xf32, #tpu.memory_space<vmem>> -> memref<128x2048xf32, #tpu.memory_space<vmem>>
        tpu.wait_dma2 semaphore(%dma_wait3A_73 : memref<!tpu.dma_semaphore, #tpu.memory_space<semaphore_mem>>) src(%dma_wait3A_80 : memref<128x2048xf32, #tpu.memory_space<vmem>>) dst(%dma_wait3A_76 : memref<128x2048xf32, #tpu.memory_space<any>>)
        %rem3A_81 = arith.constant 385 : i32
        %rem3A_82 = arith.constant 8 : i32
        %rem3A_83 = arith.remsi %rem3A_81, %rem3A_82 : i32
        %dma_wait3A_84 = tpu.memref_slice %arg7[%rem3A_83] : memref<8x!tpu.dma_semaphore, #tpu.memory_space<semaphore_mem>> -> memref<1x!tpu.dma_semaphore, #tpu.memory_space<semaphore_mem>>
        %dma_wait3A_85 = tpu.memref_squeeze %dma_wait3A_84 : memref<1x!tpu.dma_semaphore, #tpu.memory_space<semaphore_mem>> -> memref<!tpu.dma_semaphore, #tpu.memory_space<semaphore_mem>>
        %dma_wait3A_86 = arith.constant 896 : i32
        %dma_wait3A_87 = arith.constant 86016 : i32
        %dma_wait3A_88 = tpu.memref_slice %arg4[%dma_wait3A_86, %dma_wait3A_87] : memref<1024x100000xf32, #tpu.memory_space<any>> -> memref<128x2048xf32, #tpu.memory_space<any>>
        %dma_wait3A_89 = arith.constant 0 : i32
        %dma_wait3A_90 = arith.constant 0 : i32
        %dma_wait3A_91 = tpu.memref_slice %arg5[%rem3A_83, %dma_wait3A_89, %dma_wait3A_90] : memref<8x128x2048xf32, #tpu.memory_space<vmem>> -> memref<1x128x2048xf32, #tpu.memory_space<vmem>>
        %dma_wait3A_92 = tpu.memref_squeeze %dma_wait3A_91 : memref<1x128x2048xf32, #tpu.memory_space<vmem>> -> memref<128x2048xf32, #tpu.memory_space<vmem>>
        tpu.wait_dma2 semaphore(%dma_wait3A_85 : memref<!tpu.dma_semaphore, #tpu.memory_space<semaphore_mem>>) src(%dma_wait3A_92 : memref<128x2048xf32, #tpu.memory_space<vmem>>) dst(%dma_wait3A_88 : memref<128x2048xf32, #tpu.memory_space<any>>)
        %rem3A_93 = arith.constant 386 : i32
        %rem3A_94 = arith.constant 8 : i32
        %rem3A_95 = arith.remsi %rem3A_93, %rem3A_94 : i32
        %dma_wait3A_96 = tpu.memref_slice %arg7[%rem3A_95] : memref<8x!tpu.dma_semaphore, #tpu.memory_space<semaphore_mem>> -> memref<1x!tpu.dma_semaphore, #tpu.memory_space<semaphore_mem>>
        %dma_wait3A_97 = tpu.memref_squeeze %dma_wait3A_96 : memref<1x!tpu.dma_semaphore, #tpu.memory_space<semaphore_mem>> -> memref<!tpu.dma_semaphore, #tpu.memory_space<semaphore_mem>>
        %dma_wait3A_98 = arith.constant 896 : i32
        %dma_wait3A_99 = arith.constant 88064 : i32
        %dma_wait3A_100 = tpu.memref_slice %arg4[%dma_wait3A_98, %dma_wait3A_99] : memref<1024x100000xf32, #tpu.memory_space<any>> -> memref<128x2048xf32, #tpu.memory_space<any>>
        %dma_wait3A_101 = arith.constant 0 : i32
        %dma_wait3A_102 = arith.constant 0 : i32
        %dma_wait3A_103 = tpu.memref_slice %arg5[%rem3A_95, %dma_wait3A_101, %dma_wait3A_102] : memref<8x128x2048xf32, #tpu.memory_space<vmem>> -> memref<1x128x2048xf32, #tpu.memory_space<vmem>>
        %dma_wait3A_104 = tpu.memref_squeeze %dma_wait3A_103 : memref<1x128x2048xf32, #tpu.memory_space<vmem>> -> memref<128x2048xf32, #tpu.memory_space<vmem>>
        tpu.wait_dma2 semaphore(%dma_wait3A_97 : memref<!tpu.dma_semaphore, #tpu.memory_space<semaphore_mem>>) src(%dma_wait3A_104 : memref<128x2048xf32, #tpu.memory_space<vmem>>) dst(%dma_wait3A_100 : memref<128x2048xf32, #tpu.memory_space<any>>)
        %rem3A_105 = arith.constant 387 : i32
        %rem3A_106 = arith.constant 8 : i32
        %rem3A_107 = arith.remsi %rem3A_105, %rem3A_106 : i32
        %dma_wait3A_108 = tpu.memref_slice %arg7[%rem3A_107] : memref<8x!tpu.dma_semaphore, #tpu.memory_space<semaphore_mem>> -> memref<1x!tpu.dma_semaphore, #tpu.memory_space<semaphore_mem>>
        %dma_wait3A_109 = tpu.memref_squeeze %dma_wait3A_108 : memref<1x!tpu.dma_semaphore, #tpu.memory_space<semaphore_mem>> -> memref<!tpu.dma_semaphore, #tpu.memory_space<semaphore_mem>>
        %dma_wait3A_110 = arith.constant 896 : i32
        %dma_wait3A_111 = arith.constant 90112 : i32
        %dma_wait3A_112 = tpu.memref_slice %arg4[%dma_wait3A_110, %dma_wait3A_111] : memref<1024x100000xf32, #tpu.memory_space<any>> -> memref<128x2048xf32, #tpu.memory_space<any>>
        %dma_wait3A_113 = arith.constant 0 : i32
        %dma_wait3A_114 = arith.constant 0 : i32
        %dma_wait3A_115 = tpu.memref_slice %arg5[%rem3A_107, %dma_wait3A_113, %dma_wait3A_114] : memref<8x128x2048xf32, #tpu.memory_space<vmem>> -> memref<1x128x2048xf32, #tpu.memory_space<vmem>>
        %dma_wait3A_116 = tpu.memref_squeeze %dma_wait3A_115 : memref<1x128x2048xf32, #tpu.memory_space<vmem>> -> memref<128x2048xf32, #tpu.memory_space<vmem>>
        tpu.wait_dma2 semaphore(%dma_wait3A_109 : memref<!tpu.dma_semaphore, #tpu.memory_space<semaphore_mem>>) src(%dma_wait3A_116 : memref<128x2048xf32, #tpu.memory_space<vmem>>) dst(%dma_wait3A_112 : memref<128x2048xf32, #tpu.memory_space<any>>)
        %rem3A_117 = arith.constant 388 : i32
        %rem3A_118 = arith.constant 8 : i32
        %rem3A_119 = arith.remsi %rem3A_117, %rem3A_118 : i32
        %dma_wait3A_120 = tpu.memref_slice %arg7[%rem3A_119] : memref<8x!tpu.dma_semaphore, #tpu.memory_space<semaphore_mem>> -> memref<1x!tpu.dma_semaphore, #tpu.memory_space<semaphore_mem>>
        %dma_wait3A_121 = tpu.memref_squeeze %dma_wait3A_120 : memref<1x!tpu.dma_semaphore, #tpu.memory_space<semaphore_mem>> -> memref<!tpu.dma_semaphore, #tpu.memory_space<semaphore_mem>>
        %dma_wait3A_122 = arith.constant 896 : i32
        %dma_wait3A_123 = arith.constant 92160 : i32
        %dma_wait3A_124 = tpu.memref_slice %arg4[%dma_wait3A_122, %dma_wait3A_123] : memref<1024x100000xf32, #tpu.memory_space<any>> -> memref<128x2048xf32, #tpu.memory_space<any>>
        %dma_wait3A_125 = arith.constant 0 : i32
        %dma_wait3A_126 = arith.constant 0 : i32
        %dma_wait3A_127 = tpu.memref_slice %arg5[%rem3A_119, %dma_wait3A_125, %dma_wait3A_126] : memref<8x128x2048xf32, #tpu.memory_space<vmem>> -> memref<1x128x2048xf32, #tpu.memory_space<vmem>>
        %dma_wait3A_128 = tpu.memref_squeeze %dma_wait3A_127 : memref<1x128x2048xf32, #tpu.memory_space<vmem>> -> memref<128x2048xf32, #tpu.memory_space<vmem>>
        tpu.wait_dma2 semaphore(%dma_wait3A_121 : memref<!tpu.dma_semaphore, #tpu.memory_space<semaphore_mem>>) src(%dma_wait3A_128 : memref<128x2048xf32, #tpu.memory_space<vmem>>) dst(%dma_wait3A_124 : memref<128x2048xf32, #tpu.memory_space<any>>)
        %rem3A_129 = arith.constant 389 : i32
        %rem3A_130 = arith.constant 8 : i32
        %rem3A_131 = arith.remsi %rem3A_129, %rem3A_130 : i32
        %dma_wait3A_132 = tpu.memref_slice %arg7[%rem3A_131] : memref<8x!tpu.dma_semaphore, #tpu.memory_space<semaphore_mem>> -> memref<1x!tpu.dma_semaphore, #tpu.memory_space<semaphore_mem>>
        %dma_wait3A_133 = tpu.memref_squeeze %dma_wait3A_132 : memref<1x!tpu.dma_semaphore, #tpu.memory_space<semaphore_mem>> -> memref<!tpu.dma_semaphore, #tpu.memory_space<semaphore_mem>>
        %dma_wait3A_134 = arith.constant 896 : i32
        %dma_wait3A_135 = arith.constant 94208 : i32
        %dma_wait3A_136 = tpu.memref_slice %arg4[%dma_wait3A_134, %dma_wait3A_135] : memref<1024x100000xf32, #tpu.memory_space<any>> -> memref<128x2048xf32, #tpu.memory_space<any>>
        %dma_wait3A_137 = arith.constant 0 : i32
        %dma_wait3A_138 = arith.constant 0 : i32
        %dma_wait3A_139 = tpu.memref_slice %arg5[%rem3A_131, %dma_wait3A_137, %dma_wait3A_138] : memref<8x128x2048xf32, #tpu.memory_space<vmem>> -> memref<1x128x2048xf32, #tpu.memory_space<vmem>>
        %dma_wait3A_140 = tpu.memref_squeeze %dma_wait3A_139 : memref<1x128x2048xf32, #tpu.memory_space<vmem>> -> memref<128x2048xf32, #tpu.memory_space<vmem>>
        tpu.wait_dma2 semaphore(%dma_wait3A_133 : memref<!tpu.dma_semaphore, #tpu.memory_space<semaphore_mem>>) src(%dma_wait3A_140 : memref<128x2048xf32, #tpu.memory_space<vmem>>) dst(%dma_wait3A_136 : memref<128x2048xf32, #tpu.memory_space<any>>)
        %rem3A_141 = arith.constant 390 : i32
        %rem3A_142 = arith.constant 8 : i32
        %rem3A_143 = arith.remsi %rem3A_141, %rem3A_142 : i32
        %dma_wait3A_144 = tpu.memref_slice %arg7[%rem3A_143] : memref<8x!tpu.dma_semaphore, #tpu.memory_space<semaphore_mem>> -> memref<1x!tpu.dma_semaphore, #tpu.memory_space<semaphore_mem>>
        %dma_wait3A_145 = tpu.memref_squeeze %dma_wait3A_144 : memref<1x!tpu.dma_semaphore, #tpu.memory_space<semaphore_mem>> -> memref<!tpu.dma_semaphore, #tpu.memory_space<semaphore_mem>>
        %dma_wait3A_146 = arith.constant 896 : i32
        %dma_wait3A_147 = arith.constant 96256 : i32
        %dma_wait3A_148 = tpu.memref_slice %arg4[%dma_wait3A_146, %dma_wait3A_147] : memref<1024x100000xf32, #tpu.memory_space<any>> -> memref<128x2048xf32, #tpu.memory_space<any>>
        %dma_wait3A_149 = arith.constant 0 : i32
        %dma_wait3A_150 = arith.constant 0 : i32
        %dma_wait3A_151 = tpu.memref_slice %arg5[%rem3A_143, %dma_wait3A_149, %dma_wait3A_150] : memref<8x128x2048xf32, #tpu.memory_space<vmem>> -> memref<1x128x2048xf32, #tpu.memory_space<vmem>>
        %dma_wait3A_152 = tpu.memref_squeeze %dma_wait3A_151 : memref<1x128x2048xf32, #tpu.memory_space<vmem>> -> memref<128x2048xf32, #tpu.memory_space<vmem>>
        tpu.wait_dma2 semaphore(%dma_wait3A_145 : memref<!tpu.dma_semaphore, #tpu.memory_space<semaphore_mem>>) src(%dma_wait3A_152 : memref<128x2048xf32, #tpu.memory_space<vmem>>) dst(%dma_wait3A_148 : memref<128x2048xf32, #tpu.memory_space<any>>)
        %rem3A_153 = arith.constant 391 : i32
        %rem3A_154 = arith.constant 8 : i32
        %rem3A_155 = arith.remsi %rem3A_153, %rem3A_154 : i32
        %dma_wait3A_156 = arith.constant 0 : i32
        %dma_wait3A_157 = tpu.memref_slice %arg7[%rem3A_155] : memref<8x!tpu.dma_semaphore, #tpu.memory_space<semaphore_mem>> -> memref<1x!tpu.dma_semaphore, #tpu.memory_space<semaphore_mem>>
        %dma_wait3A_158 = tpu.memref_squeeze %dma_wait3A_157 : memref<1x!tpu.dma_semaphore, #tpu.memory_space<semaphore_mem>> -> memref<!tpu.dma_semaphore, #tpu.memory_space<semaphore_mem>>
        %dma_wait3A_159 = arith.constant 896 : i32
        %dma_wait3A_160 = arith.constant 98304 : i32
        %dma_wait3A_161 = tpu.memref_slice %arg4[%dma_wait3A_159, %dma_wait3A_160] : memref<1024x100000xf32, #tpu.memory_space<any>> -> memref<128x1696xf32, #tpu.memory_space<any>>
        %dma_wait3A_162 = arith.constant 0 : i32
        %dma_wait3A_163 = arith.constant 0 : i32
        %dma_wait3A_164 = tpu.memref_slice %arg6[%dma_wait3A_156, %dma_wait3A_162, %dma_wait3A_163] : memref<1x128x1696xf32, #tpu.memory_space<vmem>> -> memref<1x128x1696xf32, #tpu.memory_space<vmem>>
        %dma_wait3A_165 = tpu.memref_squeeze %dma_wait3A_164 : memref<1x128x1696xf32, #tpu.memory_space<vmem>> -> memref<128x1696xf32, #tpu.memory_space<vmem>>
        tpu.wait_dma2 semaphore(%dma_wait3A_158 : memref<!tpu.dma_semaphore, #tpu.memory_space<semaphore_mem>>) src(%dma_wait3A_165 : memref<128x1696xf32, #tpu.memory_space<vmem>>) dst(%dma_wait3A_161 : memref<128x1696xf32, #tpu.memory_space<any>>)
      } else {
      }
    } else {
    }
    return
  }
  func.func @transform_0(%arg0: i32) -> (i32, i32) {
    %c0_i32 = arith.constant 0 : i32
    %c0_i32_0 = arith.constant 0 : i32
    %c0_i32_1 = arith.constant 0 : i32
    return %c0_i32, %c0_i32_0 : i32, i32
  }
  func.func @transform_1(%arg0: i32) -> (i32, i32) {
    %c0_i32 = arith.constant 0 : i32
    %c0_i32_0 = arith.constant 0 : i32
    %c0_i32_1 = arith.constant 0 : i32
    return %c0_i32, %c0_i32_0 : i32, i32
  }
  func.func @transform_2(%arg0: i32) -> (i32, i32) {
    %c0_i32 = arith.constant 0 : i32
    %c0_i32_0 = arith.constant 0 : i32
    %c0_i32_1 = arith.constant 0 : i32
    return %c0_i32, %c0_i32_0 : i32, i32
  }
}

</mosaic_0001>

<sc_bundles>
// kernel: kernel.4.cloned.1.call-start
scs
__scs_entry_jumppad:
0x0: {  	(pc) =	sbr.rel $0x88, $3  }
0x1: {  	(tag) =	ssettag $0x0;
	lr =	simm.s32 $0x1  }
0x2: {  	[smem:$0x3F9D] =	sst lr;
	_ =	strace $0xD0000000  }
0x3: {  	_ = 	snop  }
0x4: {  	_ = 	snop  }
0x5: {  	_ = 	snop  }
0x6: {  	_ = 	snop  }
0x7: {  	_ = 	snop  }
__scs_overlays_trampoline_lowered:
0x8: {  	[smem:$0x3FAC] =	sst s0  }
0x9: {  	[smem:$0x3FAD] =	sst s1  }
0xa: {  	[smem:$0x3FAE] =	sst s2  }
0xb: {  	[smem:$0x3FAF] =	sst s3  }
0xc: {  	[smem:$0x3FB0] =	sst s4  }
0xd: {  	[smem:$0x3FB1] =	sst s5  }
0xe: {  	[smem:$0x3FB2] =	sst s6  }
0xf: {  	[smem:$0x3FB3] =	sst s7  }
0x10: {  	[smem:$0x3FB4] =	sst s8  }
0x11: {  	[smem:$0x3FB5] =	sst s9;
	s0 =	simm.s32 @!p0 $0x0  }
0x12: {  	s1 =	sld [smem:$0x3F9B];
	s0 =	simm.s32 @p0 $0x1  }
0x13: {  	[smem:$0x3FB6] =	sst s0;
	s0 =	simm.s32 @!p1 $0x0  }
0x14: {  	s2 =	sld [smem:$0x3F9A];
	s0 =	simm.s32 @p1 $0x1  }
0x15: {  	[smem:$0x3FB7] =	sst s0;
	s0 =	simm.s32 @!p2 $0x0  }
0x16: {  	s3 =	sld [smem:$0x3FDB];
	s0 =	simm.s32 @p2 $0x1  }
0x17: {  	s4 =	simm.s32 $0x1BF5;
	[smem:$0x3FB9] =	sst s0  }
0x18: {  	s0 =	sld [smem:$0x3F9C];
	_ =	swait.ge [sflag:s4], $0x0  }
0x19: {  	s7 =	sld [smem:$0x3F9D]  }
0x1a: {  	s8 =	sadd.s32 $0xFFFFE003, lr  }
0x1b: {  	s9 =	sadd.s32 $0xFFFFFEF7, lr;
	s5 =	simm.s32 $0xFFFFFFFF;
	p2 =	slt.u32 s8, $0xFFFFF086  }
0x1c: {  	p1 =	slt.u32 s9, $0xF7A;
	s5 =	simm.s32 @!p2 $0x0  }
0x1d: {  	s5 =	simm.s32 @p1 $0x1;
	p0 =	seq.s32 s7, s2  }
0x1e: {  	s7 =	smul.u32 @!p0 $0xF7A, s2;
	p2 =	seq.s32 @!p0 s5, $0x0  }
0x1f: {  	s9 =	smul.u32 $0xF7A, s1;
	s8 =	simm.s32 @!p0 $0x1BF5;
	p2 =	por !p2, p0  }
0x20: {  	[sflag:s8] =	ssyncset.s32 @!p0 $0xFFFFF086;
	s6 =	sadd.s32 @!p0 s3, s7;
	s7 =	simm.s32 @!p0 $0x108  }
0x21: {  	s3 =	sadd.s32 s3, s9;
	s6 =	sadd.s32 @!p0 $0x88, s6;
	s7 =	simm.s32 @p2 $0x1082  }
0x22: {  	[simem:s7], [sflag:s8] =	dma.local @!p0 [hbm:s6], $0xF7A  }
0x23: {  	s9 =	sor.u32 $0xD0000000, s2;
	s6 =	simm.s32 $0x108;
	_ =	swait.ge @!p0 [sflag:s8], $0x0  }
0x24: {  	s3 =	sadd.s32 $0x88, s3;
	s6 =	simm.s32 @!p1 $0x1082;
	[sflag:s4] =	ssyncset.s32 $0xFFFFF086  }
0x25: {  	[simem:s6], [sflag:s4] =	dma.local [hbm:s3], $0xF7A  }
0x26: {  	[smem:$0x3F9D] =	sst s1;
	(tag) =	ssettag s2;
	_ =	strace s9  }
0x27: {  	s1 =	sld [smem:$0x3FAD]  }
0x28: {  	s2 =	sld [smem:$0x3FAE]  }
0x29: {  	s4 =	sld [smem:$0x3FB0]  }
0x2a: {  	p0 =	seq.s32 s5, $0x0;
	s5 =	sld [smem:$0x3FB1]  }
0x2b: {  	s6 =	sld [smem:$0x3FB2]  }
0x2c: {  	s7 =	sld [smem:$0x3FB3]  }
0x2d: {  	s3 =	simm.s32 $0x108;
	s8 =	sld [smem:$0x3FB4]  }
0x2e: {  	s3 =	simm.s32 @!p0 $0x1082;
	s9 =	sld [smem:$0x3FB5]  }
0x2f: {  	lr =	sadd.s32 s0, s3;
	s0 =	sld [smem:$0x3FAC]  }
0x30: {  	s3 =	sld [smem:$0x3FAF]  }
0x31: {  	[smem:$0x3FB8] =	sst s10  }
0x32: {  	s10 =	sld [smem:$0x3FB6];
	_ =	sdelay $0x3  }
0x33: {  	p0 =	seq.s32 s10, $0x1;
	s10 =	sld [smem:$0x3FB8];
	_ =	sdelay $0x3  }
0x34: {  	[smem:$0x3FB8] =	sst s10  }
0x35: {  	s10 =	sld [smem:$0x3FB7];
	_ =	sdelay $0x3  }
0x36: {  	p1 =	seq.s32 s10, $0x1;
	s10 =	sld [smem:$0x3FB8];
	_ =	sdelay $0x3  }
0x37: {  	[smem:$0x3FB8] =	sst s10  }
0x38: {  	s10 =	sld [smem:$0x3FB9]  }
0x39: {  	_ = 	snop;
	(pc) =	sbr.ind lr, $3  }
0x3a: {  	_ = 	snop  }
0x3b: {  	_ = 	snop  }
0x3c: {  	p2 =	seq.s32 s10, $0x1;
	s10 =	sld [smem:$0x3FB8]  }
0x3d: {  	_ =	shalt  }
0x3e: {  	_ =	shalt  }
0x3f: {  	_ =	shalt  }
0x40: {  	_ =	shalt  }
0x41: {  	_ =	shalt  }
0x42: {  	_ =	shalt  }
0x43: {  	_ =	shalt  }
0x44: {  	_ =	shalt  }
0x45: {  	_ =	shalt  }
0x46: {  	_ =	shalt  }
0x47: {  	_ =	shalt  }
0x48: {  	_ =	shalt  }
0x49: {  	_ =	shalt  }
0x4a: {  	_ =	shalt  }
0x4b: {  	_ =	shalt  }
0x4c: {  	_ =	shalt  }
0x4d: {  	_ =	shalt  }
0x4e: {  	_ =	shalt  }
0x4f: {  	_ =	shalt  }
0x50: {  	_ =	shalt  }
0x51: {  	_ =	shalt  }
0x52: {  	_ =	shalt  }
0x53: {  	_ =	shalt  }
0x54: {  	_ =	shalt  }
0x55: {  	_ =	shalt  }
0x56: {  	_ =	shalt  }
0x57: {  	_ =	shalt  }
0x58: {  	_ =	shalt  }
0x59: {  	_ =	shalt  }
0x5a: {  	_ =	shalt  }
0x5b: {  	_ =	shalt  }
0x5c: {  	_ =	shalt  }
0x5d: {  	_ =	shalt  }
0x5e: {  	_ =	shalt  }
0x5f: {  	_ =	shalt  }
0x60: {  	_ =	shalt  }
0x61: {  	_ =	shalt  }
0x62: {  	_ =	shalt  }
0x63: {  	_ =	shalt  }
0x64: {  	_ =	shalt  }
0x65: {  	_ =	shalt  }
0x66: {  	_ =	shalt  }
0x67: {  	_ =	shalt  }
0x68: {  	_ =	shalt  }
0x69: {  	_ =	shalt  }
0x6a: {  	_ =	shalt  }
0x6b: {  	_ =	shalt  }
0x6c: {  	_ =	shalt  }
0x6d: {  	_ =	shalt  }
0x6e: {  	_ =	shalt  }
0x6f: {  	_ =	shalt  }
0x70: {  	_ =	shalt  }
0x71: {  	_ =	shalt  }
0x72: {  	_ =	shalt  }
0x73: {  	_ =	shalt  }
0x74: {  	_ =	shalt  }
0x75: {  	_ =	shalt  }
0x76: {  	_ =	shalt  }
0x77: {  	_ =	shalt  }
0x78: {  	_ =	shalt  }
0x79: {  	_ =	shalt  }
0x7a: {  	_ =	shalt  }
0x7b: {  	_ =	shalt  }
0x7c: {  	_ =	shalt  }
0x7d: {  	_ =	shalt  }
0x7e: {  	_ =	shalt  }
0x7f: {  	_ =	shalt  }
0x80: {  	_ =	shalt  }
0x81: {  	_ =	shalt  }
0x82: {  	_ =	shalt  }
0x83: {  	_ =	shalt  }
0x84: {  	_ =	shalt  }
0x85: {  	_ =	shalt  }
0x86: {  	_ =	shalt  }
0x87: {  	_ =	shalt  }
.Lfunc_end0:
.L_simem_size_0:
called_computation_lowered:
.L_overlay_start_0:
0x88: {  	s2 =	sld [smem:$0x3FD9]  }
0x89: {  	s3 =	sld [smem:$0x3FFE];
	_ =	sdelay $0x1  }
0x8a: {  	s1 =	srdreg.scid  }
0x8b: {  	s0 =	sand.u32 $0x1, s1  }
0x8c: {  	s17 =	sshll.u32 s0, $0xA;
	s2 =	sadd.s32 s3, s2  }
0x8d: {  	s2 =	sadd.s32 s2, s17  }
0x8e: {  	[smem:$0x3FC4] =	sst s2  }
0x8f: {  	_ = 	snop  }
0x90: {  	s2 =	sld [smem:$0x3FC9]  }
0x91: {  	s18 =	sld [smem:$0x3FD0];
	(tm) =	ssettm $0x1  }
0x92: {  	s4 =	sld [smem:$0x3FFB];
	_ =	sdelay $0x3  }
0x93: {  	_ =	strace s4  }
0x94: {  	s4 =	sld [smem:$0x3FFC];
	_ =	sdelay $0x3  }
0x95: {  	_ =	strace s4  }
0x96: {  	s4 =	sld [smem:$0x3FFD];
	_ =	sdelay $0x3  }
0x97: {  	_ =	strace s4  }
0x98: {  	_ =	strace $0x8FFFFFFF  }
0x99: {  	s19 =	sld [smem:$0x3FDB];
	_ =	sdelay $0x1  }
0x9a: {  	s5 =	simm.s32 $_scs_section_size  }
0x9b: {  	s6 =	simm.s32 $_size__tile_overlayer_lowered;
	s7 =	simm.s32 $_tile_overlayer_lowered  }
0x9c: {  	s22 =	simm.s32 $0x1BFF;
	s21 =	sshll.u32 s7, $0x1;
	s4 =	sadd.s32 s5, s19  }
0x9d: {  	s8 =	simm.s32 $0x0;
	s20 =	sshll.u32 s6, $0x1;
	s6 =	sadd.s32 s21, s4  }
0x9e: {  	[timem:s8], [sflag:s22] =	dma.local [hbm:s6], s20  }
0x9f: {  	_ =	swait.ge [sflag:s22], s20  }
0xa0: {  	s5 =	ssub.s32 $0x0, s20;
	[sflag:s22] =	ssyncset.done $0x0  }
0xa1: {  	[sflag:s22] =	ssyncadd.s32 s5;
	_ =	sdelay $0x1  }
0xa2: {  	s23 =	simm.s32 $0x1B8B  }
0xa3: {  	_ =	swait.ge [sflag:s23], $0x1  }
0xa4: {  	[sflag:s23] =	ssyncset.done $0x0  }
0xa5: {  	s25 =	simm.s32 $0x1B8E;
	s24 =	sld [smem:$0x3FFE];
	[sflag:s23] =	ssyncadd.s32 $0xFFFFFFFF  }
0xa6: {  	s26 =	simm.s32 $execute0_lowered;
	[smem:$0x3FD2] =	sst s25  }
0xa7: {  	s6 =	sshll.u32 s26, $0x1;
	_ =	strace $0x80000046;
	[dreg:$0x1] =	wrdreg $0xFFFFFFFF  }
0xa8: {  	s28 =	simm.s32 $_size_execute0_lowered;
	s4 =	sadd.s32 s4, s6;
	[dreg:$0x0] =	wrdreg $0x0  }
0xa9: {  	s6 =	sshll.u32 s28, $0x1;
	[dreg:$0x2] =	wrdreg s4  }
0xaa: {  	[dreg:$0x3] =	wrdreg s6  }
0xab: {  	[dreg:$0x4] =	wrdreg $0xC0  }
0xac: {  	_ =	task [dreg:s8], $0x5FFFF  }
0xad: {  	[dreg:$0x1] =	wrdreg $0xFFFFFFFF  }
0xae: {  	[dreg:$0x0] =	wrdreg $0x60  }
0xaf: {  	[dreg:$0x2] =	wrdreg s24  }
0xb0: {  	[dreg:$0x3] =	wrdreg s2  }
0xb1: {  	[dreg:$0x4] =	wrdreg s18  }
0xb2: {  	[dreg:$0x5] =	wrdreg $0x9  }
0xb3: {  	_ =	task.clear_ibuf [dreg:s8], $0x6FFFF;
	_ =	strace $0x90000046  }
0xb4: {  	s29 =	simm.s32 $0x9;
	_ =	strace $0x80000048  }
0xb5: {  	_ =	swait.ge [sflag:s29], $0x1  }
0xb6: {  	[sflag:s29] =	ssyncadd.s32 $0xFFFFFFFF  }
0xb7: {  	_ =	strace $0x90000048  }
0xb8: {  	_ =	sfence  }
0xb9: {  	s30 =	sld [smem:$0x0];
	_ =	sdelay $0x2  }
0xba: {  	s31 =	sshll.u32 s1, $0xD;
	s1 =	sshrl.u32 s1, $0x2  }
0xbb: {  	s3 =	sand.u32 $0x4000, s31;
	s1 =	sadd.s32 s1, s30  }
0xbc: {  	s0 =	sor.u32 s3, s0;
	s1 =	sshll.u32 s1, $0x11  }
0xbd: {  	s0 =	sor.u32 s1, s0  }
0xbe: {  	s0 =	sadd.s32 $0x8F2B, s0  }
0xbf: {  	[sflag:s0] =	ssyncadd.remote.s32 $0x1  }
0xc0: {  	_ =	sfence.sel $0xFFFF  }
0xc1: {  	[dreg:$0x0] =	wrdreg $0xFFFFFFFF;
	(pc) =	sbr.abs _section_cstart, $3  }
0xc2: {  	[dreg:$0x1] =	wrdreg $0xFFFFFFFF  }
0xc3: {  	_ =	task.clear_ibuf [dreg:s8], $0x2FFFF;
	_ =	strace $0x9FFFFFFF  }
0xc4: {  	(tm) =	ssettm $0x7FFFFFFF  }
0xc5: {  	_ =	shalt  }
tec
execute0_lowered:
.L_overlay_start_1:
0x0: {  	(tag) =	ssettag $0x1  }
0x1: {  	s5 =	rddreg [dreg:$0x0]  }
0x2: {  	s1 =	srdreg.scid;
	s3 =	rddreg [dreg:$0x1]  }
0x3: {  	s0 =	stileid.u32;
	s8 =	rddreg [dreg:$0x2];
	s6 =	sand.u32 $0x1, s1  }
0x4: {  	s2 =	simm.s32 $0x0;
	s4 =	sshll.u32 s0, $0x6;
	s7 =	sshll.u32 s6, $0x5  }
0x5: {  	[smem:$0x7FF] =	sst s2;
	s9 =	sor.u32 s7, s4  }
0x6: {  	s1 =	rddreg [dreg:$0x3];
	_ =	strace $0x80000047;
	s4 =	sshrl.u32 s9, $0x3  }
0x7: {  	s10 =	ssub.s32 $0x2, s6;
	s4 =	sadd.s32 s3, s4;
	s3 =	simm.s32 $0x2  }
0x8: {  	[tilespmem:s2], [sflag:$0x2] =	stream.linear.gather [hbm4b:s4+s2], $0x20, $0x38;
	[tilespmem:$0x220] =	vst v63  }
0x9: {  	s5 =	sadd.s32 $0xE00, s5;
	s11 =	sshrl.u32 s10, $0x1;
	_ =	swait.ge [sflag:s3], $0x20  }
0xa: {  	s6 =	simm.s32 $0x20;
	s10 =	ssub.s32 s10, s11;
	[sflag:s3] =	ssyncset.done $0x0  }
0xb: {  	s7 =	simm.s32 $0x1;
	s31 =	smax.u32 s10, $0x1;
	[sflag:s3] =	ssyncadd.s32 $0xFFFFFFE0  }
0xc: {  	[tilespmem:s6], [sflag:$0x1] =	stream.indirect.gather [hbm4b:s5+s6], $0x10, s2, s6, $0xb8;
	[tilespmem:$0x220] =	vst v63  }
0xd: {  	p0 =	sne.s32 s31, $0x1;
	_ =	swait.ge [sflag:s7], $0x200  }
.Ltmp0:
0xe: {  	s9 =	sshll.u32 s9, $0x1;
	[sflag:s7] =	ssyncset.done $0x0;
	(pc) =	sbr.rel @!p0 .LBB2_2-.Ltmp0, $4  }
0xf: {  	s8 =	sadd.s32 s8, s9;
	[sflag:s7] =	ssyncadd.s32 $0xFFFFFE00  }
0x10: {  	[hbm4b:s8+s2] =	stream.linear.scatter [tilespmem:s6], [sflag:$0x2], $0x200, $0x38;
	[tilespmem:$0x220] =	vst v63  }
0x11: {  	_ =	swait.ge [sflag:s3], $0x200  }
0x12: {  	s9 =	sadd.s32 $0xFFFFFFFF, s31;
	[sflag:s3] =	ssyncset.done $0x0  }
.LBB2_1:
0x13: {  	p0 =	sne.s32 s9, $0x1;
	s9 =	sadd.s32 $0xFFFFFFFF, s9;
	[sflag:s3] =	ssyncadd.s32 $0xFFFFFE00  }
0x14: {  	[tilespmem:s2], [sflag:$0x2] =	stream.linear.gather [hbm4b:s4+s2], $0x20, $0x38;
	[tilespmem:$0x220] =	vst v63  }
0x15: {  	_ =	swait.ge [sflag:s3], $0x20  }
0x16: {  	[sflag:s3] =	ssyncset.done $0x0  }
0x17: {  	[sflag:s3] =	ssyncadd.s32 $0xFFFFFFE0  }
0x18: {  	[tilespmem:s6], [sflag:$0x1] =	stream.indirect.gather [hbm4b:s5+s6], $0x10, s2, s6, $0xb8;
	[tilespmem:$0x220] =	vst v63  }
0x19: {  	_ =	swait.ge [sflag:s7], $0x200  }
.Ltmp1:
0x1a: {  	[sflag:s7] =	ssyncset.done $0x0;
	(pc) =	sbr.rel @p0 .LBB2_1-.Ltmp1, $4  }
0x1b: {  	[sflag:s7] =	ssyncadd.s32 $0xFFFFFE00  }
0x1c: {  	[hbm4b:s8+s2] =	stream.linear.scatter [tilespmem:s6], [sflag:$0x2], $0x200, $0x38;
	[tilespmem:$0x220] =	vst v63  }
0x1d: {  	_ =	swait.ge [sflag:s3], $0x200  }
0x1e: {  	[sflag:s3] =	ssyncset.done $0x0  }
.LBB2_2:
0x1f: {  	[sflag:s3] =	ssyncadd.s32 $0xFFFFFE00  }
0x20: {  	_ =	sfence.sel $0x180000  }
0x21: {  	[bflag:$0x0] =	sbarrier.arrive $0xFFFF  }
0x22: {  	p0 =	sne.s32 s0, $0x0;
	_ =	strace $0x90000047  }
0x23: {  	s0 =	sadd.s32 @!p0 $0x100000, s1;
	[bflag:$0x2] =	sbarrier.arrive $0xFFFF  }
0x24: {  	[sflag:s0] =	ssyncadd.tile.s32 @!p0 $0x1;
	_ =	shalt  }
.Lfunc_end2:
_tile_overlayer_lowered:
.L_overlay_start_2:
0x25: {  	(tag) =	ssettag $0x2  }
0x26: {  	s0 =	rddreg [dreg:$0x0];
	s2 =	stileid.u32  }
0x27: {  	s1 =	rddreg [dreg:$0x1];
	p0 =	sne.s32 s2, $0x0  }
0x28: {  	s3 =	rddreg [dreg:$0x2];
	[bflag:$0x3] =	sbarrier.arrive $0xFFFF;
	s2 =	simm.s32 @!p0 $0x1C02  }
0x29: {  	[timem:s3], [sflag:s2] =	dma.local @!p0 [hbm:s0], s1  }
0x2a: {  	s0 =	simm.s32 @!p0 $0x2  }
0x2b: {  	_ =	swait.ge @!p0 [sflag:s0], s1  }
0x2c: {  	s1 =	ssub.s32 @!p0 $0x0, s1;
	[sflag:s0] =	ssyncset.done @!p0 $0x0  }
0x2d: {  	[sflag:s0] =	ssyncadd.s32 @!p0 s1  }
0x2e: {  	[bflag:$0x3] =	sbarrier.arrive $0xFFFF  }
0x2f: {  	_ =	shalt  }

</sc_bundles>
